<compile_context>
chip_gen: v7x
topology: tpu7x:2x2x1
jax: 0.10.2.dev20260603
libtpu: 0.0.44.dev20260713+nightly
codegen_flags: <defaults>
</compile_context>

<pallas_src>
import functools

import jax
import jax.numpy as jnp
from jax import lax
from jax.experimental import pallas as pl
from jax.experimental.pallas import tpu as pltpu
from jax.experimental.pallas import tpu_sc as plsc

F = 26
B = 1024
L = 200
CARD1 = 100001
PITCH = 100032
PCARD1 = 1001
PROD_OFF = F * PITCH
TROWS = PROD_OFF + 1024
EMB = 16
NSLOT = F + 1
SLAB = L * NSLOT
M = B * SLAB
NW = 32
BPW = B // NW
NS = SLAB // 128
TAIL = SLAB - NS * 128


def _emb_kernel(idx_hbm, tab_hbm, out_hbm, idx_v, buf_v, gsem, wsem):
    c = lax.axis_index("c")
    s = lax.axis_index("s")
    wid = s * 2 + c
    b0 = wid * BPW

    def do_batch(g, carry):
        b = b0 + g
        pltpu.sync_copy(idx_hbm.at[pl.ds(b * SLAB, SLAB)], idx_v)

        @pl.when(g > 0)
        def _():
            pltpu.make_async_copy(
                tab_hbm.at[pl.ds(0, SLAB)], buf_v, wsem).wait()

        def gat(j, carry2):
            pltpu.async_copy(
                tab_hbm.at[idx_v.at[pl.ds(j * 128, 128)]],
                buf_v.at[pl.ds(j * 128, 128), :],
                gsem,
            )
            return carry2

        lax.fori_loop(0, NS, gat, 0)
        pltpu.async_copy(
            tab_hbm.at[idx_v.at[pl.ds(NS * 128, TAIL)]],
            buf_v.at[pl.ds(NS * 128, TAIL), :],
            gsem,
        )

        pltpu.make_async_copy(
            tab_hbm.at[pl.ds(0, SLAB)], buf_v, gsem).wait()

        pltpu.async_copy(buf_v, out_hbm.at[pl.ds(b * SLAB, SLAB)], wsem)
        return carry

    lax.fori_loop(0, BPW, do_batch, 0)
    pltpu.make_async_copy(tab_hbm.at[pl.ds(0, SLAB)], buf_v, wsem).wait()


@jax.jit
def _run(idx_flat, tab_all):
    mesh = plsc.VectorSubcoreMesh(core_axis_name="c", subcore_axis_name="s")
    kfn = functools.partial(
        pl.kernel,
        mesh=mesh,
        compiler_params=pltpu.CompilerParams(use_tc_tiling_on_sc=False),
        out_type=jax.ShapeDtypeStruct((M, EMB), jnp.float32),
        scratch_types=[
            pltpu.VMEM((SLAB,), jnp.int32),
            pltpu.VMEM((SLAB, EMB), jnp.float32),
            pltpu.SemaphoreType.DMA,
            pltpu.SemaphoreType.DMA,
        ],
    )(_emb_kernel)
    return kfn(idx_flat, tab_all)


def kernel(indices, product, tables, product_table):
    zf = jnp.zeros((PITCH - CARD1, EMB), jnp.float32)
    zt = jnp.zeros((TROWS - PROD_OFF - PCARD1, EMB), jnp.float32)
    pieces = []
    for f in range(F):
        pieces.append(tables[f])
        pieces.append(zf)
    pieces.append(product_table)
    pieces.append(zt)
    tab_all = jnp.concatenate(pieces, axis=0)

    idxf = indices.astype(jnp.int32) + (
        jnp.arange(F, dtype=jnp.int32) * PITCH)[:, None, None]
    pidx = product.astype(jnp.int32) + PROD_OFF
    slab = jnp.concatenate(
        [
            idxf.transpose(1, 2, 0),
            jnp.broadcast_to(pidx[:, None, None], (B, L, 1)),
        ],
        axis=2,
    )
    out_flat = _run(slab.reshape(M), tab_all)
    return out_flat.reshape(B, L, NSLOT * EMB)

# --- scband reference (transcript-rebuilt; emitter-appended) ---
"""Pipeline reference for scband-embedding-layer-9792525434944 (READ-ONLY COPY).

The authoritative reference and input builder live on the scoring server;
editing this copy changes nothing except your own understanding.
"""

import jax, jax.numpy as jnp
import numpy as np

N_FEATURES = 26
B = 1024
L = 200
CARD = 100000          # cardinality per transaction cat feature (+1 missing row in table)
EMB = 16
PROD_CARD = 1000       # product cardinality (+1 missing row in table)
PROD_EMB = 16


def setup_inputs(seed: int = 0) -> dict:
    key = jax.random.key(seed)
    k1, k2, k3, k4 = jax.random.split(key, 4)
    # batch['transactions_features']: list of 26 int tensors [B, L]; stacked here as [F, B, L]
    indices = jax.random.randint(k1, (N_FEATURES, B, L), 0, CARD)
    # batch['product']: int tensor [B]
    product = jax.random.randint(k2, (B,), 0, PROD_CARD)
    # learned parameters: 26 embedding tables [CARD+1, EMB] (add_missing=True), stacked [F, CARD+1, EMB]
    tables = jax.random.normal(k3, (N_FEATURES, CARD + 1, EMB), dtype=jnp.float32) * 0.02
    # product embedding table [PROD_CARD+1, PROD_EMB]
    product_table = jax.random.normal(k4, (PROD_CARD + 1, PROD_EMB), dtype=jnp.float32) * 0.02
    return {"indices": indices, "product": product, "tables": tables, "product_table": product_table}


def reference(indices, product, tables, product_table):
    # per-feature embedding lookup: embeds[f] = tables[f][indices[f]]  -> [F, B, L, EMB]
    embeds = jax.vmap(lambda t, idx: jnp.take(t, idx, axis=0))(tables, indices)
    # torch.cat(embeddings, dim=-1): [B, L, F*EMB]
    cat = jnp.transpose(embeds, (1, 2, 0, 3)).reshape(B, L, N_FEATURES * EMB)
    # product embedding, unsqueeze(1).repeat(1, L, 1): [B, L, PROD_EMB]
    prod = jnp.take(product_table, product, axis=0)
    prod = jnp.broadcast_to(prod[:, None, :], (B, L, PROD_EMB))
    # final concat: [B, L, F*EMB + PROD_EMB] = [1024, 200, 432]
    return jnp.concatenate([cat, prod], axis=-1)

if __name__ == "__main__":
    import jax
    _d = setup_inputs()
    print(jax.jit(kernel)(*tuple(_d.values())))

</pallas_src>

<mosaic_0001>
#map = affine_map<(d0, d1) -> (0)>
#map1 = affine_map<(d0, d1) -> (0, 0)>
module attributes {stable_mosaic.version = 14 : i64} {
  func.func @_emb_kernel(%arg0: i32, %arg1: i32, %arg2: memref<5529600xi32, #tpu.memory_space<hbm>>, %arg3: memref<2601856x16xf32, #tpu.memory_space<hbm>>, %arg4: memref<5529600x16xf32, #tpu.memory_space<hbm>>, %arg5: memref<5400xi32, #tpu.memory_space<vmem>>, %arg6: memref<5400x16xf32, #tpu.memory_space<vmem>>, %arg7: memref<!tpu.dma_semaphore, #tpu.memory_space<semaphore_mem>>, %arg8: memref<!tpu.dma_semaphore, #tpu.memory_space<semaphore_mem>>) attributes {dimension_semantics = [#tpu.dimension_semantics<core_parallel>, #tpu.dimension_semantics<subcore_parallel>], iteration_bounds = array<i64: 2, 16>, scalar_prefetch = 0 : i64, scratch_operands = 4 : i64, tpu.core_type = #tpu.core_type<sc_vector_subcore>, window_params = [{transform_indices = #map}, {transform_indices = #map1}, {transform_indices = #map1}]} {
    %mul3A = arith.constant 2 : i32
    %mul3A_0 = arith.muli %arg1, %mul3A : i32
    %add3A = arith.addi %mul3A_0, %arg0 : i32
    %mul3A_1 = arith.constant 32 : i32
    %mul3A_2 = arith.muli %add3A, %mul3A_1 : i32
    %scan3A = arith.constant 0 : i32
    %scan3A_3 = arith.constant 0 : i32
    %scan3A_4 = arith.constant 32 : i32
    %scan3A_5 = arith.addi %scan3A_3, %scan3A_4 : i32
    %scan3A_6 = arith.constant 1 : i32
    scf.for %scan3A_13 = %scan3A_3 to %scan3A_5 step %scan3A_6  : i32 {
      %add3A_14 = arith.addi %mul3A_2, %scan3A_13 : i32
      %mul3A_15 = arith.constant 5400 : i32
      %mul3A_16 = arith.muli %add3A_14, %mul3A_15 : i32
      "tpu.region"() ({
        %run_scoped3A = tpu.sem_alloc : memref<!tpu.dma_semaphore, #tpu.memory_space<semaphore_mem>>
        %dma_start3A_44 = tpu.memref_slice %arg2[%mul3A_16] : memref<5529600xi32, #tpu.memory_space<hbm>> -> memref<5400xi32, #tpu.memory_space<hbm>>
        %dma_start3A_45 = tpu.memref_slice %arg2[%mul3A_16] : memref<5529600xi32, #tpu.memory_space<hbm>> -> memref<5400xi32, #tpu.memory_space<hbm>>
        tpu.enqueue_dma source(%dma_start3A_45 : memref<5400xi32, #tpu.memory_space<hbm>>) target(%arg5 : memref<5400xi32, #tpu.memory_space<vmem>>) target_semaphore(%run_scoped3A : memref<!tpu.dma_semaphore, #tpu.memory_space<semaphore_mem>>)
        %dma_wait3A_46 = tpu.memref_slice %arg2[%mul3A_16] : memref<5529600xi32, #tpu.memory_space<hbm>> -> memref<5400xi32, #tpu.memory_space<hbm>>
        %dma_wait3A_47 = tpu.memref_slice %arg2[%mul3A_16] : memref<5529600xi32, #tpu.memory_space<hbm>> -> memref<5400xi32, #tpu.memory_space<hbm>>
        tpu.wait_dma2 semaphore(%run_scoped3A : memref<!tpu.dma_semaphore, #tpu.memory_space<semaphore_mem>>) src(%dma_wait3A_47 : memref<5400xi32, #tpu.memory_space<hbm>>) dst(%arg5 : memref<5400xi32, #tpu.memory_space<vmem>>)
        tpu.yield
      }) : () -> ()
      %gt3A = arith.constant 0 : i32
      %gt3A_17 = arith.cmpi sgt, %scan3A_13, %gt3A : i32
      %convert_element_type3A = arith.extui %gt3A_17 : i1 to i32
      %cond3A = arith.constant 0 : i32
      %cond3A_18 = arith.cmpi ne, %convert_element_type3A, %cond3A : i32
      scf.if %cond3A_18 {
        %dma_wait3A_44 = arith.constant 0 : i32
        %dma_wait3A_45 = arith.constant 0 : i32
        %dma_wait3A_46 = tpu.memref_slice %arg3[%dma_wait3A_44, %dma_wait3A_45] : memref<2601856x16xf32, #tpu.memory_space<hbm>> -> memref<5400x16xf32, #tpu.memory_space<hbm>>
        %dma_wait3A_47 = arith.constant 0 : i32
        %dma_wait3A_48 = arith.constant 0 : i32
        %dma_wait3A_49 = tpu.memref_slice %arg3[%dma_wait3A_47, %dma_wait3A_48] : memref<2601856x16xf32, #tpu.memory_space<hbm>> -> memref<5400x16xf32, #tpu.memory_space<hbm>>
        tpu.wait_dma2 semaphore(%arg8 : memref<!tpu.dma_semaphore, #tpu.memory_space<semaphore_mem>>) src(%dma_wait3A_49 : memref<5400x16xf32, #tpu.memory_space<hbm>>) dst(%arg6 : memref<5400x16xf32, #tpu.memory_space<vmem>>)
      } else {
      }
      %scan3A_19 = arith.constant 0 : i32
      %scan3A_20 = arith.constant 0 : i32
      %scan3A_21 = arith.constant 42 : i32
      %scan3A_22 = arith.addi %scan3A_20, %scan3A_21 : i32
      %scan3A_23 = arith.constant 1 : i32
      scf.for %scan3A_44 = %scan3A_20 to %scan3A_22 step %scan3A_23  : i32 {
        %mul3A_45 = arith.constant 128 : i32
        %mul3A_46 = arith.muli %scan3A_44, %mul3A_45 : i32
        %mul3A_47 = arith.constant 128 : i32
        %mul3A_48 = arith.muli %scan3A_44, %mul3A_47 : i32
        %dma_start3A_49 = arith.constant 0 : i32
        %dma_start3A_50 = tpu.memref_slice %arg6[%mul3A_48, %dma_start3A_49] : memref<5400x16xf32, #tpu.memory_space<vmem>> -> memref<128x16xf32, #tpu.memory_space<vmem>>
        %dma_start3A_51 = tpu.memref_slice %arg5[%mul3A_46] : memref<5400xi32, #tpu.memory_space<vmem>> -> memref<128xi32, #tpu.memory_space<vmem>>
        %dma_start3A_52 = arith.constant 0 : i32
        %dma_start3A_53 = arith.constant 0 : i32
        %dma_start3A_54 = tpu.memref_slice %arg3[%dma_start3A_52, %dma_start3A_53] : memref<2601856x16xf32, #tpu.memory_space<hbm>> -> memref<2601856x16xf32, #tpu.memory_space<hbm>>
        tpu.enqueue_indirect_dma source(%dma_start3A_54 : memref<2601856x16xf32, #tpu.memory_space<hbm>>) target(%dma_start3A_50 : memref<128x16xf32, #tpu.memory_space<vmem>>) offsets(%dma_start3A_51 : memref<128xi32, #tpu.memory_space<vmem>>) semaphore(%arg7 : memref<!tpu.dma_semaphore, #tpu.memory_space<semaphore_mem>>)
      }
      %scan3A_24 = arith.constant 42 : i32
      %dma_start3A = arith.constant 5376 : i32
      %dma_start3A_25 = arith.constant 0 : i32
      %dma_start3A_26 = tpu.memref_slice %arg6[%dma_start3A, %dma_start3A_25] : memref<5400x16xf32, #tpu.memory_space<vmem>> -> memref<24x16xf32, #tpu.memory_space<vmem>>
      %dma_start3A_27 = arith.constant 5376 : i32
      %dma_start3A_28 = tpu.memref_slice %arg5[%dma_start3A_27] : memref<5400xi32, #tpu.memory_space<vmem>> -> memref<24xi32, #tpu.memory_space<vmem>>
      %dma_start3A_29 = arith.constant 0 : i32
      %dma_start3A_30 = arith.constant 0 : i32
      %dma_start3A_31 = tpu.memref_slice %arg3[%dma_start3A_29, %dma_start3A_30] : memref<2601856x16xf32, #tpu.memory_space<hbm>> -> memref<2601856x16xf32, #tpu.memory_space<hbm>>
      tpu.enqueue_indirect_dma source(%dma_start3A_31 : memref<2601856x16xf32, #tpu.memory_space<hbm>>) target(%dma_start3A_26 : memref<24x16xf32, #tpu.memory_space<vmem>>) offsets(%dma_start3A_28 : memref<24xi32, #tpu.memory_space<vmem>>) semaphore(%arg7 : memref<!tpu.dma_semaphore, #tpu.memory_space<semaphore_mem>>)
      %dma_wait3A_32 = arith.constant 0 : i32
      %dma_wait3A_33 = arith.constant 0 : i32
      %dma_wait3A_34 = tpu.memref_slice %arg3[%dma_wait3A_32, %dma_wait3A_33] : memref<2601856x16xf32, #tpu.memory_space<hbm>> -> memref<5400x16xf32, #tpu.memory_space<hbm>>
      %dma_wait3A_35 = arith.constant 0 : i32
      %dma_wait3A_36 = arith.constant 0 : i32
      %dma_wait3A_37 = tpu.memref_slice %arg3[%dma_wait3A_35, %dma_wait3A_36] : memref<2601856x16xf32, #tpu.memory_space<hbm>> -> memref<5400x16xf32, #tpu.memory_space<hbm>>
      tpu.wait_dma2 semaphore(%arg7 : memref<!tpu.dma_semaphore, #tpu.memory_space<semaphore_mem>>) src(%dma_wait3A_37 : memref<5400x16xf32, #tpu.memory_space<hbm>>) dst(%arg6 : memref<5400x16xf32, #tpu.memory_space<vmem>>)
      %mul3A_38 = arith.constant 5400 : i32
      %mul3A_39 = arith.muli %add3A_14, %mul3A_38 : i32
      %dma_start3A_40 = arith.constant 0 : i32
      %dma_start3A_41 = tpu.memref_slice %arg4[%mul3A_39, %dma_start3A_40] : memref<5529600x16xf32, #tpu.memory_space<hbm>> -> memref<5400x16xf32, #tpu.memory_space<hbm>>
      %dma_start3A_42 = arith.constant 0 : i32
      %dma_start3A_43 = tpu.memref_slice %arg4[%mul3A_39, %dma_start3A_42] : memref<5529600x16xf32, #tpu.memory_space<hbm>> -> memref<5400x16xf32, #tpu.memory_space<hbm>>
      tpu.enqueue_dma source(%arg6 : memref<5400x16xf32, #tpu.memory_space<vmem>>) target(%dma_start3A_43 : memref<5400x16xf32, #tpu.memory_space<hbm>>) target_semaphore(%arg8 : memref<!tpu.dma_semaphore, #tpu.memory_space<semaphore_mem>>)
    }
    %scan3A_7 = arith.constant 32 : i32
    %dma_wait3A = arith.constant 0 : i32
    %dma_wait3A_8 = arith.constant 0 : i32
    %dma_wait3A_9 = tpu.memref_slice %arg3[%dma_wait3A, %dma_wait3A_8] : memref<2601856x16xf32, #tpu.memory_space<hbm>> -> memref<5400x16xf32, #tpu.memory_space<hbm>>
    %dma_wait3A_10 = arith.constant 0 : i32
    %dma_wait3A_11 = arith.constant 0 : i32
    %dma_wait3A_12 = tpu.memref_slice %arg3[%dma_wait3A_10, %dma_wait3A_11] : memref<2601856x16xf32, #tpu.memory_space<hbm>> -> memref<5400x16xf32, #tpu.memory_space<hbm>>
    tpu.wait_dma2 semaphore(%arg8 : memref<!tpu.dma_semaphore, #tpu.memory_space<semaphore_mem>>) src(%dma_wait3A_12 : memref<5400x16xf32, #tpu.memory_space<hbm>>) dst(%arg6 : memref<5400x16xf32, #tpu.memory_space<vmem>>)
    return
  }
}

</mosaic_0001>

<sc_bundles>
// kernel: _run.3.cloned.1.call-start
scs
__scs_entry_jumppad:
0x0: {  	(pc) =	sbr.rel $0x88, $3  }
0x1: {  	(tag) =	ssettag $0x0;
	lr =	simm.s32 $0x1  }
0x2: {  	[smem:$0x3F9F] =	sst lr;
	_ =	strace $0xD0000000  }
0x3: {  	_ = 	snop  }
0x4: {  	_ = 	snop  }
0x5: {  	_ = 	snop  }
0x6: {  	_ = 	snop  }
0x7: {  	_ = 	snop  }
__scs_overlays_trampoline_lowered:
0x8: {  	[smem:$0x3FAE] =	sst s0  }
0x9: {  	[smem:$0x3FAF] =	sst s1  }
0xa: {  	[smem:$0x3FB0] =	sst s2  }
0xb: {  	[smem:$0x3FB1] =	sst s3  }
0xc: {  	[smem:$0x3FB2] =	sst s4  }
0xd: {  	[smem:$0x3FB3] =	sst s5  }
0xe: {  	[smem:$0x3FB4] =	sst s6  }
0xf: {  	[smem:$0x3FB5] =	sst s7  }
0x10: {  	[smem:$0x3FB6] =	sst s8  }
0x11: {  	[smem:$0x3FB7] =	sst s9;
	s0 =	simm.s32 @!p0 $0x0  }
0x12: {  	s1 =	sld [smem:$0x3F9D];
	s0 =	simm.s32 @p0 $0x1  }
0x13: {  	[smem:$0x3FB8] =	sst s0;
	s0 =	simm.s32 @!p1 $0x0  }
0x14: {  	s2 =	sld [smem:$0x3F9C];
	s0 =	simm.s32 @p1 $0x1  }
0x15: {  	[smem:$0x3FB9] =	sst s0;
	s0 =	simm.s32 @!p2 $0x0  }
0x16: {  	s3 =	sld [smem:$0x3FDB];
	s0 =	simm.s32 @p2 $0x1  }
0x17: {  	s4 =	simm.s32 $0x1BF5;
	[smem:$0x3FBB] =	sst s0  }
0x18: {  	s0 =	sld [smem:$0x3F9E];
	_ =	swait.ge [sflag:s4], $0x0  }
0x19: {  	s7 =	sld [smem:$0x3F9F]  }
0x1a: {  	s8 =	sadd.s32 $0xFFFFE003, lr  }
0x1b: {  	s9 =	sadd.s32 $0xFFFFFEF7, lr;
	s5 =	simm.s32 $0xFFFFFFFF;
	p2 =	slt.u32 s8, $0xFFFFF086  }
0x1c: {  	p1 =	slt.u32 s9, $0xF7A;
	s5 =	simm.s32 @!p2 $0x0  }
0x1d: {  	s5 =	simm.s32 @p1 $0x1;
	p0 =	seq.s32 s7, s2  }
0x1e: {  	s7 =	smul.u32 @!p0 $0xF7A, s2;
	p2 =	seq.s32 @!p0 s5, $0x0  }
0x1f: {  	s9 =	smul.u32 $0xF7A, s1;
	s8 =	simm.s32 @!p0 $0x1BF5;
	p2 =	por !p2, p0  }
0x20: {  	[sflag:s8] =	ssyncset.s32 @!p0 $0xFFFFF086;
	s6 =	sadd.s32 @!p0 s3, s7;
	s7 =	simm.s32 @!p0 $0x108  }
0x21: {  	s3 =	sadd.s32 s3, s9;
	s6 =	sadd.s32 @!p0 $0x88, s6;
	s7 =	simm.s32 @p2 $0x1082  }
0x22: {  	[simem:s7], [sflag:s8] =	dma.local @!p0 [hbm:s6], $0xF7A  }
0x23: {  	s9 =	sor.u32 $0xD0000000, s2;
	s6 =	simm.s32 $0x108;
	_ =	swait.ge @!p0 [sflag:s8], $0x0  }
0x24: {  	s3 =	sadd.s32 $0x88, s3;
	s6 =	simm.s32 @!p1 $0x1082;
	[sflag:s4] =	ssyncset.s32 $0xFFFFF086  }
0x25: {  	[simem:s6], [sflag:s4] =	dma.local [hbm:s3], $0xF7A  }
0x26: {  	[smem:$0x3F9F] =	sst s1;
	(tag) =	ssettag s2;
	_ =	strace s9  }
0x27: {  	s1 =	sld [smem:$0x3FAF]  }
0x28: {  	s2 =	sld [smem:$0x3FB0]  }
0x29: {  	s4 =	sld [smem:$0x3FB2]  }
0x2a: {  	p0 =	seq.s32 s5, $0x0;
	s5 =	sld [smem:$0x3FB3]  }
0x2b: {  	s6 =	sld [smem:$0x3FB4]  }
0x2c: {  	s7 =	sld [smem:$0x3FB5]  }
0x2d: {  	s3 =	simm.s32 $0x108;
	s8 =	sld [smem:$0x3FB6]  }
0x2e: {  	s3 =	simm.s32 @!p0 $0x1082;
	s9 =	sld [smem:$0x3FB7]  }
0x2f: {  	lr =	sadd.s32 s0, s3;
	s0 =	sld [smem:$0x3FAE]  }
0x30: {  	s3 =	sld [smem:$0x3FB1]  }
0x31: {  	[smem:$0x3FBA] =	sst s10  }
0x32: {  	s10 =	sld [smem:$0x3FB8];
	_ =	sdelay $0x3  }
0x33: {  	p0 =	seq.s32 s10, $0x1;
	s10 =	sld [smem:$0x3FBA];
	_ =	sdelay $0x3  }
0x34: {  	[smem:$0x3FBA] =	sst s10  }
0x35: {  	s10 =	sld [smem:$0x3FB9];
	_ =	sdelay $0x3  }
0x36: {  	p1 =	seq.s32 s10, $0x1;
	s10 =	sld [smem:$0x3FBA];
	_ =	sdelay $0x3  }
0x37: {  	[smem:$0x3FBA] =	sst s10  }
0x38: {  	s10 =	sld [smem:$0x3FBB]  }
0x39: {  	_ = 	snop;
	(pc) =	sbr.ind lr, $3  }
0x3a: {  	_ = 	snop  }
0x3b: {  	_ = 	snop  }
0x3c: {  	p2 =	seq.s32 s10, $0x1;
	s10 =	sld [smem:$0x3FBA]  }
0x3d: {  	_ =	shalt  }
0x3e: {  	_ =	shalt  }
0x3f: {  	_ =	shalt  }
0x40: {  	_ =	shalt  }
0x41: {  	_ =	shalt  }
0x42: {  	_ =	shalt  }
0x43: {  	_ =	shalt  }
0x44: {  	_ =	shalt  }
0x45: {  	_ =	shalt  }
0x46: {  	_ =	shalt  }
0x47: {  	_ =	shalt  }
0x48: {  	_ =	shalt  }
0x49: {  	_ =	shalt  }
0x4a: {  	_ =	shalt  }
0x4b: {  	_ =	shalt  }
0x4c: {  	_ =	shalt  }
0x4d: {  	_ =	shalt  }
0x4e: {  	_ =	shalt  }
0x4f: {  	_ =	shalt  }
0x50: {  	_ =	shalt  }
0x51: {  	_ =	shalt  }
0x52: {  	_ =	shalt  }
0x53: {  	_ =	shalt  }
0x54: {  	_ =	shalt  }
0x55: {  	_ =	shalt  }
0x56: {  	_ =	shalt  }
0x57: {  	_ =	shalt  }
0x58: {  	_ =	shalt  }
0x59: {  	_ =	shalt  }
0x5a: {  	_ =	shalt  }
0x5b: {  	_ =	shalt  }
0x5c: {  	_ =	shalt  }
0x5d: {  	_ =	shalt  }
0x5e: {  	_ =	shalt  }
0x5f: {  	_ =	shalt  }
0x60: {  	_ =	shalt  }
0x61: {  	_ =	shalt  }
0x62: {  	_ =	shalt  }
0x63: {  	_ =	shalt  }
0x64: {  	_ =	shalt  }
0x65: {  	_ =	shalt  }
0x66: {  	_ =	shalt  }
0x67: {  	_ =	shalt  }
0x68: {  	_ =	shalt  }
0x69: {  	_ =	shalt  }
0x6a: {  	_ =	shalt  }
0x6b: {  	_ =	shalt  }
0x6c: {  	_ =	shalt  }
0x6d: {  	_ =	shalt  }
0x6e: {  	_ =	shalt  }
0x6f: {  	_ =	shalt  }
0x70: {  	_ =	shalt  }
0x71: {  	_ =	shalt  }
0x72: {  	_ =	shalt  }
0x73: {  	_ =	shalt  }
0x74: {  	_ =	shalt  }
0x75: {  	_ =	shalt  }
0x76: {  	_ =	shalt  }
0x77: {  	_ =	shalt  }
0x78: {  	_ =	shalt  }
0x79: {  	_ =	shalt  }
0x7a: {  	_ =	shalt  }
0x7b: {  	_ =	shalt  }
0x7c: {  	_ =	shalt  }
0x7d: {  	_ =	shalt  }
0x7e: {  	_ =	shalt  }
0x7f: {  	_ =	shalt  }
0x80: {  	_ =	shalt  }
0x81: {  	_ =	shalt  }
0x82: {  	_ =	shalt  }
0x83: {  	_ =	shalt  }
0x84: {  	_ =	shalt  }
0x85: {  	_ =	shalt  }
0x86: {  	_ =	shalt  }
0x87: {  	_ =	shalt  }
.Lfunc_end0:
.L_simem_size_0:
called_computation.1_lowered:
.L_overlay_start_0:
0x88: {  	s2 =	sld [smem:$0x3FD9]  }
0x89: {  	s3 =	sld [smem:$0x3FFE];
	_ =	sdelay $0x1  }
0x8a: {  	s1 =	srdreg.scid  }
0x8b: {  	s0 =	sand.u32 $0x1, s1  }
0x8c: {  	s17 =	sshll.u32 s0, $0xA;
	s2 =	sadd.s32 s3, s2  }
0x8d: {  	s2 =	sadd.s32 s2, s17  }
0x8e: {  	[smem:$0x3FC6] =	sst s2  }
0x8f: {  	_ = 	snop  }
0x90: {  	s2 =	sld [smem:$0x3FC9]  }
0x91: {  	s18 =	sld [smem:$0x3FD0];
	(tm) =	ssettm $0x1  }
0x92: {  	s4 =	sld [smem:$0x3FFB];
	_ =	sdelay $0x3  }
0x93: {  	_ =	strace s4  }
0x94: {  	s4 =	sld [smem:$0x3FFC];
	_ =	sdelay $0x3  }
0x95: {  	_ =	strace s4  }
0x96: {  	s4 =	sld [smem:$0x3FFD];
	_ =	sdelay $0x3  }
0x97: {  	_ =	strace s4  }
0x98: {  	_ =	strace $0x8FFFFFFF  }
0x99: {  	s19 =	sld [smem:$0x3FDB];
	_ =	sdelay $0x1  }
0x9a: {  	s5 =	simm.s32 $_scs_section_size  }
0x9b: {  	s6 =	simm.s32 $_size__tile_overlayer_lowered;
	s7 =	simm.s32 $_tile_overlayer_lowered  }
0x9c: {  	s22 =	simm.s32 $0x1BFF;
	s21 =	sshll.u32 s7, $0x1;
	s4 =	sadd.s32 s5, s19  }
0x9d: {  	s8 =	simm.s32 $0x0;
	s20 =	sshll.u32 s6, $0x1;
	s6 =	sadd.s32 s21, s4  }
0x9e: {  	[timem:s8], [sflag:s22] =	dma.local [hbm:s6], s20  }
0x9f: {  	_ =	swait.ge [sflag:s22], s20  }
0xa0: {  	s5 =	ssub.s32 $0x0, s20;
	[sflag:s22] =	ssyncset.done $0x0  }
0xa1: {  	[sflag:s22] =	ssyncadd.s32 s5;
	_ =	sdelay $0x1  }
0xa2: {  	s23 =	simm.s32 $0x1B8B  }
0xa3: {  	_ =	swait.ge [sflag:s23], $0x1  }
0xa4: {  	[sflag:s23] =	ssyncset.done $0x0  }
0xa5: {  	s25 =	simm.s32 $0x1B8E;
	s24 =	sld [smem:$0x3FFE];
	[sflag:s23] =	ssyncadd.s32 $0xFFFFFFFF  }
0xa6: {  	s26 =	simm.s32 $execute0_lowered;
	[smem:$0x3FD2] =	sst s25  }
0xa7: {  	s6 =	sshll.u32 s26, $0x1;
	_ =	strace $0x80000046;
	[dreg:$0x1] =	wrdreg $0xFFFFFFFF  }
0xa8: {  	s28 =	simm.s32 $_size_execute0_lowered;
	s4 =	sadd.s32 s4, s6;
	[dreg:$0x0] =	wrdreg $0x0  }
0xa9: {  	s6 =	sshll.u32 s28, $0x1;
	[dreg:$0x2] =	wrdreg s4  }
0xaa: {  	[dreg:$0x3] =	wrdreg s6  }
0xab: {  	[dreg:$0x4] =	wrdreg $0xC0  }
0xac: {  	_ =	task [dreg:s8], $0x5FFFF  }
0xad: {  	[dreg:$0x1] =	wrdreg $0xFFFFFFFF  }
0xae: {  	[dreg:$0x0] =	wrdreg $0x60  }
0xaf: {  	[dreg:$0x2] =	wrdreg s2  }
0xb0: {  	[dreg:$0x3] =	wrdreg s24  }
0xb1: {  	[dreg:$0x4] =	wrdreg s18  }
0xb2: {  	[dreg:$0x5] =	wrdreg $0x9  }
0xb3: {  	_ =	task.clear_ibuf [dreg:s8], $0x6FFFF;
	_ =	strace $0x90000046  }
0xb4: {  	s29 =	simm.s32 $0x9;
	_ =	strace $0x80000048  }
0xb5: {  	_ =	swait.ge [sflag:s29], $0x1  }
0xb6: {  	[sflag:s29] =	ssyncadd.s32 $0xFFFFFFFF  }
0xb7: {  	_ =	strace $0x90000048  }
0xb8: {  	_ =	sfence  }
0xb9: {  	s30 =	sld [smem:$0x0];
	_ =	sdelay $0x2  }
0xba: {  	s31 =	sshll.u32 s1, $0xD;
	s1 =	sshrl.u32 s1, $0x2  }
0xbb: {  	s3 =	sand.u32 $0x4000, s31;
	s1 =	sadd.s32 s1, s30  }
0xbc: {  	s0 =	sor.u32 s3, s0;
	s1 =	sshll.u32 s1, $0x11  }
0xbd: {  	s0 =	sor.u32 s1, s0  }
0xbe: {  	s0 =	sadd.s32 $0x8F2B, s0  }
0xbf: {  	[sflag:s0] =	ssyncadd.remote.s32 $0x1  }
0xc0: {  	_ =	sfence.sel $0xFFFF  }
0xc1: {  	[dreg:$0x0] =	wrdreg $0xFFFFFFFF;
	(pc) =	sbr.abs _section_cstart, $3  }
0xc2: {  	[dreg:$0x1] =	wrdreg $0xFFFFFFFF  }
0xc3: {  	_ =	task.clear_ibuf [dreg:s8], $0x2FFFF;
	_ =	strace $0x9FFFFFFF  }
0xc4: {  	(tm) =	ssettm $0x7FFFFFFF  }
0xc5: {  	_ =	shalt  }
tec
execute0_lowered:
.L_overlay_start_1:
0x0: {  	(tag) =	ssettag $0x1  }
0x1: {  	s1 =	rddreg [dreg:$0x0]  }
0x2: {  	s5 =	rddreg [dreg:$0x1]  }
0x3: {  	s2 =	rddreg [dreg:$0x2]  }
0x4: {  	s4 =	srdreg.scid;
	s0 =	rddreg [dreg:$0x3];
	s3 =	simm.s32 $0x0  }
0x5: {  	s9 =	simm.s32 $0x80;
	s10 =	simm.s32 $0x18;
	s11 =	simm.s32 $0x1500  }
0x6: {  	s12 =	simm.s32 $0x16518;
	s13 =	simm.s32 $0x1;
	s14 =	simm.s32 $0x1518  }
0x7: {  	s15 =	simm.s32 $0x2;
	s16 =	simm.s32 $0x0;
	s6 =	sand.u32 $0x1, s4  }
0x8: {  	[smem:$0x7FF] =	sst s3;
	s4 =	stileid.u32;
	s7 =	ssub.s32 $0x2, s6  }
0x9: {  	s5 =	sadd.s32 $0x27B4000, s5;
	_ =	strace $0x80000047;
	s8 =	sshrl.u32 s7, $0x1  }
0xa: {  	s31 =	sshll.u32 s4, $0x6;
	s6 =	sshll.u32 s6, $0x5;
	s7 =	ssub.s32 s7, s8  }
0xb: {  	s6 =	sor.u32 s6, s31;
	s8 =	simm.s32 $0x3;
	s7 =	smax.u32 s7, $0x1  }
.LBB2_1:
0xc: {  	s17 =	simm.s32 $0x0  }
.LBB2_2:
0xd: {  	s18 =	sadd.s32 s6, s17  }
0xe: {  	s19 =	smul.u32 $0x2A3, s18;
	_ =	sdelay $0x1  }
0xf: {  	s19 =	sadd.s32 s1, s19  }
0x10: {  	[tilespmem:s3], [sflag:$0x3] =	stream.linear.gather [hbm4b:s19+s3], $0x1518, $0x38;
	[tilespmem:$0x16698] =	vst v63  }
0x11: {  	_ =	swait.ge [sflag:s8], $0x1518  }
0x12: {  	p0 =	seq.s32 s17, $0x0;
	[sflag:s8] =	ssyncset.done $0x0  }
0x13: {  	s19 =	simm.s32 @!p0 $0x2;
	[sflag:s8] =	ssyncadd.s32 $0xFFFFEAE8  }
0x14: {  	_ =	swait.ge @!p0 [sflag:s19], $0x15180  }
0x15: {  	s20 =	simm.s32 $0x200;
	s22 =	simm.s32 $0x0;
	[sflag:s19] =	ssyncset.done @!p0 $0x0  }
0x16: {  	s21 =	simm.s32 $0x1D18;
	[sflag:s19] =	ssyncadd.s32 @!p0 $0xFFFEAE80;
	s19 =	simm.s32 $0x1518  }
.LBB2_3:
0x17: {  	[tilespmem:s19], [sflag:$0x1] =	stream.indirect.gather [hbm4b:s5+s9], $0x10, s22, s9, $0xb8;
	[tilespmem:$0x16698] =	vst v63  }
0x18: {  	s22 =	smov.u32 s20;
	s19 =	smov.u32 s21;
	p0 =	sne.s32 s20, $0x5200  }
.Ltmp0:
0x19: {  	s20 =	sadd.s32 $0x200, s20;
	(pc) =	sbr.rel @p0 .LBB2_3-.Ltmp0, $2  }
0x1a: {  	_ =	sdelay $0x2  }
0x1b: {  	s21 =	sadd.s32 $0x800, s21;
	s22 =	sshra.s32 s22, $0x2  }
0x1c: {  	[tilespmem:s19], [sflag:$0x1] =	stream.indirect.gather [hbm4b:s5+s9], $0x10, s22, s9, $0xb8;
	[tilespmem:$0x16698] =	vst v63  }
0x1d: {  	s17 =	sadd.s32 $0x1, s17  }
0x1e: {  	p0 =	sne.s32 s17, $0x20  }
0x1f: {  	[tilespmem:s12], [sflag:$0x1] =	stream.indirect.gather [hbm4b:s5+s10], $0x10, s11, s10, $0xb8;
	[tilespmem:$0x16698] =	vst v63  }
.Ltmp1:
0x20: {  	_ = 	snop;
	(pc) =	sbr.rel @p0 .LBB2_2-.Ltmp1, $4  }
0x21: {  	s18 =	smul.u32 $0x2A30, s18;
	_ =	swait.ge [sflag:s13], $0x15180  }
0x22: {  	[sflag:s13] =	ssyncset.done $0x0  }
0x23: {  	s18 =	sadd.s32 s2, s18;
	[sflag:s13] =	ssyncadd.s32 $0xFFFEAE80  }
0x24: {  	[hbm4b:s18+s3] =	stream.linear.scatter [tilespmem:s14], [sflag:$0x2], $0x15180, $0x38;
	[tilespmem:$0x16698] =	vst v63  }
0x25: {  	s16 =	sadd.s32 $0x1, s16  }
0x26: {  	p0 =	sne.s32 s16, s7  }
.Ltmp2:
0x27: {  	_ = 	snop;
	(pc) =	sbr.rel @p0 .LBB2_1-.Ltmp2, $4  }
0x28: {  	_ = 	snop  }
0x29: {  	_ =	swait.ge [sflag:s15], $0x15180  }
0x2a: {  	[sflag:s15] =	ssyncset.done $0x0  }
0x2b: {  	[sflag:s15] =	ssyncadd.s32 $0xFFFEAE80  }
0x2c: {  	_ =	sfence.sel $0x180000  }
0x2d: {  	[bflag:$0x0] =	sbarrier.arrive $0xFFFF  }
0x2e: {  	p0 =	sne.s32 s4, $0x0;
	_ =	strace $0x90000047  }
0x2f: {  	s0 =	sadd.s32 @!p0 $0x100000, s0;
	[bflag:$0x2] =	sbarrier.arrive $0xFFFF  }
0x30: {  	[sflag:s0] =	ssyncadd.tile.s32 @!p0 $0x1;
	_ =	shalt  }
.Lfunc_end2:
_tile_overlayer_lowered:
.L_overlay_start_2:
0x31: {  	(tag) =	ssettag $0x2  }
0x32: {  	s0 =	rddreg [dreg:$0x0];
	s2 =	stileid.u32  }
0x33: {  	s1 =	rddreg [dreg:$0x1];
	p0 =	sne.s32 s2, $0x0  }
0x34: {  	s3 =	rddreg [dreg:$0x2];
	[bflag:$0x3] =	sbarrier.arrive $0xFFFF;
	s2 =	simm.s32 @!p0 $0x1C03  }
0x35: {  	[timem:s3], [sflag:s2] =	dma.local @!p0 [hbm:s0], s1  }
0x36: {  	s0 =	simm.s32 @!p0 $0x3  }
0x37: {  	_ =	swait.ge @!p0 [sflag:s0], s1  }
0x38: {  	s1 =	ssub.s32 @!p0 $0x0, s1;
	[sflag:s0] =	ssyncset.done @!p0 $0x0  }
0x39: {  	[sflag:s0] =	ssyncadd.s32 @!p0 s1  }
0x3a: {  	[bflag:$0x3] =	sbarrier.arrive $0xFFFF  }
0x3b: {  	_ =	shalt  }

// kernel: sparse-core-data-format-call.cloned.1.call-start
scs
called_computation_lowered:
.L_overlay_start_0:
0x0: {  	s2 =	sld [smem:$0x3FD9]  }
0x1: {  	s3 =	sld [smem:$0x3FFE];
	_ =	sdelay $0x1  }
0x2: {  	s1 =	srdreg.scid  }
0x3: {  	s0 =	sand.u32 $0x1, s1  }
0x4: {  	s18 =	sshll.u32 s0, $0xA;
	s2 =	sadd.s32 s3, s2  }
0x5: {  	s2 =	sadd.s32 s2, s18  }
0x6: {  	[smem:$0x3FC6] =	sst s2  }
0x7: {  	_ = 	snop  }
0x8: {  	s2 =	sld [smem:$0x3FD0];
	(tm) =	ssettm $0x1  }
0x9: {  	s19 =	sld [smem:$0x3FFB];
	_ =	sdelay $0x3  }
0xa: {  	_ =	strace s19  }
0xb: {  	s3 =	sld [smem:$0x3FFC];
	_ =	sdelay $0x3  }
0xc: {  	_ =	strace s3  }
0xd: {  	s3 =	sld [smem:$0x3FFD];
	_ =	sdelay $0x3  }
0xe: {  	_ =	strace s3  }
0xf: {  	_ =	strace $0x8FFFFFFF  }
0x10: {  	s20 =	sld [smem:$0x3FDB];
	_ =	sdelay $0x1  }
0x11: {  	s4 =	simm.s32 $_scs_section_size  }
0x12: {  	s5 =	simm.s32 $_size__tile_overlayer_lowered;
	s6 =	simm.s32 $_tile_overlayer_lowered  }
0x13: {  	s23 =	simm.s32 $0x1BFF;
	s22 =	sshll.u32 s6, $0x1;
	s3 =	sadd.s32 s4, s20  }
0x14: {  	s7 =	simm.s32 $0x0;
	s21 =	sshll.u32 s5, $0x1;
	s5 =	sadd.s32 s22, s3  }
0x15: {  	[timem:s7], [sflag:s23] =	dma.local [hbm:s5], s21  }
0x16: {  	_ =	swait.ge [sflag:s23], s21  }
0x17: {  	s4 =	ssub.s32 $0x0, s21;
	[sflag:s23] =	ssyncset.done $0x0  }
0x18: {  	[sflag:s23] =	ssyncadd.s32 s4;
	_ =	sdelay $0x1  }
0x19: {  	s24 =	simm.s32 $0x1B8B  }
0x1a: {  	_ =	swait.ge [sflag:s24], $0x1  }
0x1b: {  	[sflag:s24] =	ssyncset.done $0x0  }
0x1c: {  	s26 =	simm.s32 $0x1B8E;
	s25 =	sld [smem:$0x3FFE];
	[sflag:s24] =	ssyncadd.s32 $0xFFFFFFFF  }
0x1d: {  	s27 =	simm.s32 $execute0_lowered;
	[smem:$0x3FD2] =	sst s26  }
0x1e: {  	s5 =	sshll.u32 s27, $0x1;
	_ =	strace $0x80000049;
	[dreg:$0x1] =	wrdreg $0xFFFFFFFF  }
0x1f: {  	s28 =	simm.s32 $_size_execute0_lowered;
	s3 =	sadd.s32 s3, s5;
	[dreg:$0x0] =	wrdreg $0x0  }
0x20: {  	s5 =	sshll.u32 s28, $0x1;
	[dreg:$0x2] =	wrdreg s3  }
0x21: {  	[dreg:$0x3] =	wrdreg s5  }
0x22: {  	[dreg:$0x4] =	wrdreg $0xC0  }
0x23: {  	_ =	task [dreg:s7], $0x5FFFF  }
0x24: {  	[dreg:$0x1] =	wrdreg $0xFFFFFFFF  }
0x25: {  	[dreg:$0x0] =	wrdreg $0x60  }
0x26: {  	[dreg:$0x2] =	wrdreg s25  }
0x27: {  	[dreg:$0x3] =	wrdreg s2  }
0x28: {  	[dreg:$0x4] =	wrdreg $0x9  }
0x29: {  	_ =	task.clear_ibuf [dreg:s7], $0x5FFFF;
	_ =	strace $0x90000049  }
0x2a: {  	s29 =	simm.s32 $0x9;
	_ =	strace $0x8000004B  }
0x2b: {  	_ =	swait.ge [sflag:s29], $0x1  }
0x2c: {  	[sflag:s29] =	ssyncadd.s32 $0xFFFFFFFF  }
0x2d: {  	_ =	strace $0x9000004B  }
0x2e: {  	_ =	sfence  }
0x2f: {  	s30 =	sld [smem:$0x0];
	_ =	sdelay $0x2  }
0x30: {  	s31 =	sshll.u32 s1, $0xD;
	s1 =	sshrl.u32 s1, $0x2  }
0x31: {  	s3 =	sand.u32 $0x4000, s31;
	s1 =	sadd.s32 s1, s30  }
0x32: {  	s0 =	sor.u32 s3, s0;
	s1 =	sshll.u32 s1, $0x11  }
0x33: {  	s0 =	sor.u32 s1, s0  }
0x34: {  	s0 =	sadd.s32 $0x8F2B, s0  }
0x35: {  	[sflag:s0] =	ssyncadd.remote.s32 $0x1  }
0x36: {  	_ =	sfence.sel $0xFFFF  }
0x37: {  	[dreg:$0x0] =	wrdreg $0xFFFFFFFF;
	(pc) =	sbr.abs _section_cstart, $3  }
0x38: {  	[dreg:$0x1] =	wrdreg $0xFFFFFFFF  }
0x39: {  	_ =	task.clear_ibuf [dreg:s7], $0x2FFFF;
	_ =	strace $0x9FFFFFFF  }
0x3a: {  	(tm) =	ssettm $0x7FFFFFFF  }
0x3b: {  	_ =	shalt  }
tec
execute0_lowered:
.L_overlay_start_1:
0x0: {  	(tag) =	ssettag $0x1  }
0x1: {  	s0 =	srdreg.scid  }
0x2: {  	s1 =	sshll.u32 s0, $0x4  }
0x3: {  	s4 =	rddreg [dreg:$0x0];
	s0 =	stileid.u32;
	s1 =	sand.u32 $0x10, s1  }
0x4: {  	s2 =	rddreg [dreg:$0x1];
	s7 =	simm.s32 $0x1;
	s1 =	sor.u32 s0, s1  }
0x5: {  	s8 =	simm.s32 $0x2;
	s11 =	simm.s32 $0x0;
	s3 =	sshll.u32 s1, $0x7  }
0x6: {  	s10 =	simm.s32 $0x0;
	s4 =	sadd.s32 $0x800, s4;
	s6 =	ssub.s32 $0x546000, s3  }
.Ltmp0:
0x7: {  	s1 =	rddreg [dreg:$0x2];
	s5 =	sand.u32 $0xF80, s6;
	(pc) =	sbr.rel .LBB1_1-.Ltmp0, $4  }
0x8: {  	_ =	strace $0x8000004A;
	s9 =	smov.u32 s3;
	p0 =	sne.s32 s5, $0x0  }
0x9: {  	s6 =	sshrl.u32 s6, $0xC;
	s5 =	simm.s32 $0x1;
	s7 =	simm.s32 @!p0 $0x0  }
0xa: {  	[sflag:s5] =	ssyncpa.u1 $0x0;
	p0 =	por $0x0, $0x0;
	s6 =	sadd.s32 s7, s6  }
0xb: {  	[sflag:s8] =	ssyncpa.u1 $0x0;
	s8 =	simm.s32 $0x2A30000;
	s7 =	sadd.s32 $0x1, s6  }
.LBB1_4:
0xc: {  	s14 =	sshll.u32 s11, $0x3  }
0xd: {  	s30 =	sand.u32 $0x7F, s11;
	s15 =	sand.u32 $0xFFFFFC00, s14  }
0xe: {  	s11 =	sor.u32 s30, s15  }
0xf: {  	s15 =	smulhi.u32 $0xC22E4507, s11  }
0x10: {  	s14 =	smulhi.u32 $0xC22E4507, s14  }
0x11: {  	s15 =	sshrl.u32 s15, $0x16  }
0x12: {  	s14 =	sshrl.u32 s14, $0x16;
	s15 =	smul.u32 $0x546000, s15  }
0x13: {  	[tilespmem:s12+$0xFFFFFFFC ss:$0x81] =	vst.msk $0xffff, v1;
	s14 =	sand.u32 $0xF, s14  }
0x14: {  	[tilespmem:s12+$0xFFFFFFFD ss:$0x81] =	vst.msk $0xffff, v2;
	s14 =	smul.u32 $0xA8C00, s14;
	s11 =	ssub.s32 s11, s15  }
0x15: {  	[tilespmem:s12+$0xFFFFFFFE ss:$0x81] =	vst.msk $0xffff, v0;
	s15 =	sand.u32 $0x7, s11  }
0x16: {  	[tilespmem:s12+$0xFFFFFFFF ss:$0x81] =	vst.msk $0xffff, v4;
	s14 =	sadd.s32 s2, s14;
	s11 =	sshrl.u32 s11, $0x3;
	s15 =	sshll.u32 s15, $0x12  }
0x17: {  	[tilespmem:s12+$0xFFFFFFF9 ss:$0x81] =	vst.msk $0xffff, v3;
	s11 =	sadd.s32 s11, s14;
	s31 =	sor.u32 $0x400, s15  }
0x18: {  	[hbm4b:s11+s31] =	stream.strided.scatter [tilespmem:s13], [sflag:$0x2], $0x800, s8, s31, $0x20;
	[tilespmem:$0x2020] =	vst v63  }
.LBB1_5:
0x19: {  	s13 =	sadd.s32 $0x1000, s9  }
0x1a: {  	p2 =	sgt.s32 s13, $0x545FFF  }
0x1b: {  	s13 =	smov.u32 @p2 s3;
	p2 =	sne.s32 s10, s7  }
.Ltmp1:
0x1c: {  	p1 =	slt.u32 s10, $0x2;
	(pc) =	sbr.rel @!p2 .LBB1_6-.Ltmp1, $4  }
0x1d: {  	s12 =	simm.s32 @!p1 $0x2  }
0x1e: {  	s14 =	sadd.s32 $0x1, s10;
	_ =	swait.ge @!p1 [sflag:s12], $0x800  }
0x1f: {  	s11 =	smov.u32 s9;
	p0 =	por !p0, !p0;
	[sflag:s12] =	ssyncset.done @!p1 $0x0  }
0x20: {  	s10 =	smov.u32 s14;
	s9 =	smov.u32 s13;
	[sflag:s12] =	ssyncadd.s32 @!p1 $0xFFFFF800  }
.LBB1_1:
0x21: {  	p1 =	sge.u32 s10, s6  }
0x22: {  	s12 =	sand.u32 @!p1 $0x1FFFFFF, s9  }
0x23: {  	s13 =	smulhi.u32 @!p1 $0x308B915, s12;
	_ =	sdelay $0x1  }
0x24: {  	s13 =	sshrl.u32 @!p1 s13, $0x10  }
0x25: {  	s13 =	smul.u32 @!p1 $0x546000, s13;
	_ =	sdelay $0x1  }
0x26: {  	s31 =	sadd.s32 $0xFFFFFFFF, s10;
	s14 =	sxor.u32 @!p1 $0xFFFFFFFF, s10;
	s12 =	ssub.s32 @!p1 s12, s13  }
0x27: {  	s15 =	simm.s32 @!p1 $0x80;
	s14 =	sshll.u32 @!p1 s14, $0xB;
	s12 =	sshll.u32 @!p1 s12, $0x4  }
0x28: {  	s13 =	sand.u32 @!p1 $0x800, s14;
	s14 =	simm.s32 @!p1 $0x10;
	s12 =	sadd.s32 @!p1 s4, s12  }
0x29: {  	[tilespmem:s13], [sflag:$0x1] =	stream.strided.gather @!p1 [hbm4b:s12+s14], $0x800, s15, s14, $0x38;
	[tilespmem:$0x2020] =	vst v63  }
0x2a: {  	p1 =	sge.u32 s31, s6  }
.Ltmp2:
0x2b: {  	_ = 	snop;
	(pc) =	sbr.rel @p1 .LBB1_5-.Ltmp2, $1  }
0x2c: {  	_ =	sdelay $0x3  }
0x2d: {  	s12 =	simm.s32 $0x1  }
0x2e: {  	_ =	swait.ge [sflag:s5], $0x800;
	s12 =	simm.s32 @!p0 $0x0  }
0x2f: {  	[sflag:s5] =	ssyncset.done $0x0;
	s13 =	sshll.u32 s12, $0xB  }
0x30: {  	[sflag:s5] =	ssyncadd.s32 $0xFFFFF800;
	s15 =	sor.u32 $0x40, s13  }
0x31: {  	v3 =	vld [tilespmem:s15+$0x30]  }
0x32: {  	s12 =	smul.u32 $0x2040, s12;
	v4 =	vld [tilespmem:s15+$0xFFFFFFD0]  }
0x33: {  	v5 =	vld [tilespmem:s15+$0xFFFFFFE0]  }
0x34: {  	s31 =	sand.u32 $0x1, s10;
	s12 =	sshrl.u32 s12, $0x2;
	v1 =	vld [tilespmem:s15+$0xFFFFFFF0]  }
0x35: {  	s13 =	smul.u32 $0x2040, s31;
	v2 =	vld [tilespmem:s15+$0x0];
	s12 =	sor.u32 $0x1007, s12  }
0x36: {  	v0 =	vld [tilespmem:s15+$0x10];
	[tilespmem:s12+$0x0 ss:$0x81] =	vst.msk $0xffff, v3  }
0x37: {  	s13 =	sshrl.u32 s13, $0x2;
	[tilespmem:s12+$0xFFFFFFFA ss:$0x81] =	vst.msk $0xffff, v4;
	v4 =	vld [tilespmem:s15+$0x20]  }
0x38: {  	s14 =	simm.s32 $0x0;
	s13 =	sor.u32 $0x1000, s13;
	v3 =	vld [tilespmem:s15+$0xFFFFFFC0];
	[tilespmem:s12+$0xFFFFFFFB ss:$0x81] =	vst.msk $0xffff, v5;
	s15 =	sadd.s32 $0x80, s15  }
.LBB1_3:
0x39: {  	v5 =	vld [tilespmem:s15+$0x30];
	s14 =	sadd.s32 $0x8, s14;
	[tilespmem:s12+$0xFFFFFFFC ss:$0x81] =	vst.msk $0xffff, v1  }
0x3a: {  	v6 =	vld [tilespmem:s15+$0xFFFFFFD0];
	p1 =	slt.u32 s14, $0x78;
	[tilespmem:s12+$0xFFFFFFFD ss:$0x81] =	vst.msk $0xffff, v2  }
0x3b: {  	v7 =	vld [tilespmem:s15+$0xFFFFFFE0];
	[tilespmem:s12+$0xFFFFFFFE ss:$0x81] =	vst.msk $0xffff, v0  }
.Ltmp3:
0x3c: {  	v1 =	vld [tilespmem:s15+$0xFFFFFFF0];
	[tilespmem:s12+$0xFFFFFFFF ss:$0x81] =	vst.msk $0xffff, v4;
	(pc) =	sbr.rel @p1 .LBB1_3-.Ltmp3, $4  }
0x3d: {  	v2 =	vld [tilespmem:s15+$0x0];
	[tilespmem:s12+$0xFFFFFFF9 ss:$0x81] =	vst.msk $0xffff, v3;
	s12 =	sadd.s32 $0x8, s12  }
0x3e: {  	v0 =	vld [tilespmem:s15+$0x10];
	[tilespmem:s12+$0x0 ss:$0x81] =	vst.msk $0xffff, v5  }
0x3f: {  	[tilespmem:s12+$0xFFFFFFFA ss:$0x81] =	vst.msk $0xffff, v6;
	v4 =	vld [tilespmem:s15+$0x20]  }
0x40: {  	v3 =	vld [tilespmem:s15+$0xFFFFFFC0];
	[tilespmem:s12+$0xFFFFFFFB ss:$0x81] =	vst.msk $0xffff, v7;
	s15 =	sadd.s32 $0x80, s15  }
.Ltmp4:
0x41: {  	_ = 	snop;
	(pc) =	sbr.rel .LBB1_4-.Ltmp4, $1  }
0x42: {  	_ =	sdelay $0x3  }
.LBB1_6:
0x43: {  	_ =	sfence.sel $0x180000  }
0x44: {  	s2 =	simm.s32 $0x1;
	[bflag:$0x0] =	sbarrier.arrive $0xFFFF  }
0x45: {  	s31 =	simm.s32 $0x2;
	[sflag:s2] =	ssyncpa.u1 $0x1  }
0x46: {  	[sflag:s31] =	ssyncpa.u1 $0x1  }
0x47: {  	p0 =	sne.s32 s0, $0x0;
	_ =	strace $0x9000004A  }
0x48: {  	s0 =	sadd.s32 @!p0 $0x100000, s1;
	[bflag:$0x2] =	sbarrier.arrive $0xFFFF  }
0x49: {  	[sflag:s0] =	ssyncadd.tile.s32 @!p0 $0x1;
	_ =	shalt  }
.Lfunc_end1:
_tile_overlayer_lowered:
.L_overlay_start_2:
0x4a: {  	(tag) =	ssettag $0x2  }
0x4b: {  	s0 =	rddreg [dreg:$0x0];
	s2 =	stileid.u32  }
0x4c: {  	s1 =	rddreg [dreg:$0x1];
	p0 =	sne.s32 s2, $0x0  }
0x4d: {  	s3 =	rddreg [dreg:$0x2];
	[bflag:$0x3] =	sbarrier.arrive $0xFFFF;
	s2 =	simm.s32 @!p0 $0x1C01  }
0x4e: {  	[timem:s3], [sflag:s2] =	dma.local @!p0 [hbm:s0], s1  }
0x4f: {  	s0 =	simm.s32 @!p0 $0x1  }
0x50: {  	_ =	swait.ge @!p0 [sflag:s0], s1  }
0x51: {  	s1 =	ssub.s32 @!p0 $0x0, s1;
	[sflag:s0] =	ssyncset.done @!p0 $0x0  }
0x52: {  	[sflag:s0] =	ssyncadd.s32 @!p0 s1  }
0x53: {  	[bflag:$0x3] =	sbarrier.arrive $0xFFFF  }
0x54: {  	_ =	shalt  }

</sc_bundles>
